<compile_context>
chip_gen: v7x
topology: tpu7x:2x2x1
jax: 0.10.2.dev20260603
libtpu: 0.0.44.dev20260713+nightly
codegen_flags: <defaults>
</compile_context>

<pallas_src>
import functools

import jax
import jax.numpy as jnp
from jax import lax
from jax.experimental import pallas as pl
from jax.experimental.pallas import tpu as pltpu
from jax.experimental.pallas import tpu_sc as plsc

_N = 18432
_D = 32
_K = 8192
_RB = 256
_GRID = _N // _RB

_MARGIN = 0.025
_S = 8192

_NC = 2
_NS = 16
_NW = _NC * _NS
_BPW = _N // _NW
_CH = 8
_CB = _BPW // _CH
_NROWS = _N // _CB
_DP = 128


def _argmin_body(d_ref, idx_ref):
    d = d_ref[...]
    best = jnp.min(d, axis=1, keepdims=True)
    iota = lax.broadcasted_iota(jnp.int32, (_RB, _K), 1)
    idx = jnp.min(jnp.where(d == best, iota, _K), axis=1)
    idx_ref[...] = idx.astype(jnp.int32).reshape(1, _RB)


def _tc_argmin(distances):
    return pl.pallas_call(
        _argmin_body,
        grid=(_GRID,),
        in_specs=[pl.BlockSpec((_RB, _K), lambda i: (i, 0))],
        out_specs=pl.BlockSpec((1, _RB), lambda i: (0, i)),
        out_shape=jax.ShapeDtypeStruct((1, _N), jnp.int32),
    )(distances)


def _sc_gather_body(table_hbm, idx_hbm, out_hbm, idx_v, rows_v, sem):
    wid = lax.axis_index("s") * _NC + lax.axis_index("c")
    base = wid * _CH
    pltpu.sync_copy(idx_hbm.at[pl.ds(base, _CH)], idx_v)
    copies = [
        pltpu.async_copy(table_hbm.at[idx_v.at[j]], rows_v.at[j], sem)
        for j in range(_CH)
    ]
    for c in copies:
        c.wait()
    pltpu.sync_copy(rows_v, out_hbm.at[pl.ds(base, _CH)])


@functools.cache
def _make_sc_gather():
    return functools.partial(
        pl.kernel,
        out_type=jax.ShapeDtypeStruct((_NROWS, _CB, _DP), jnp.float32),
        mesh=plsc.VectorSubcoreMesh(core_axis_name="c", subcore_axis_name="s"),
        scratch_types=[
            pltpu.VMEM((_CH, _CB), jnp.int32),
            pltpu.VMEM((_CH, _CB, _DP), jnp.float32),
            pltpu.SemaphoreType.DMA,
        ],
    )(_sc_gather_body)


def kernel(inputs, embeddings):
    flat = inputs.reshape(_N, _D)
    similarity = flat @ embeddings
    distances = (jnp.sum(flat ** 2, axis=1, keepdims=True)
                 + jnp.sum(embeddings ** 2, axis=0) - 2.0 * similarity)
    idx = jnp.argmin(distances, axis=1).astype(jnp.int32)
    table = jnp.pad(embeddings.T, ((0, 0), (0, _DP - _D)))
    quantized = _make_sc_gather()(table, idx.reshape(_NROWS, _CB))
    return quantized[:, :, :_D].reshape(inputs.shape)

# --- scband reference (transcript-rebuilt; emitter-appended) ---
"""Pipeline reference for scband-vector-quantizer-52656299049012 (READ-ONLY COPY).

The authoritative reference and input builder live on the scoring server;
editing this copy changes nothing except your own understanding.
"""

import jax, jax.numpy as jnp
import numpy as np

NUM_EMBEDDINGS = 8192
EMBEDDING_DIM = 32
BETA = 0.25


def setup_inputs(seed: int = 0) -> dict:
    key = jax.random.key(seed)
    k1, k2 = jax.random.split(key)
    inputs = jax.random.normal(k1, (32, 576, 32), dtype=jnp.float32)
    # Keras add_weight(shape=(embedding_dim, num_embeddings), initializer='random_uniform')
    embeddings = jax.random.uniform(k2, (EMBEDDING_DIM, NUM_EMBEDDINGS), minval=-0.05, maxval=0.05, dtype=jnp.float32)
    return {"inputs": inputs, "embeddings": embeddings}


def reference(inputs, embeddings):
    input_shape = inputs.shape
    flattened = inputs.reshape(-1, EMBEDDING_DIM)
    # get_code_indices: L2 distance via expansion
    similarity = flattened @ embeddings
    distances = (jnp.sum(flattened ** 2, axis=1, keepdims=True)
                 + jnp.sum(embeddings ** 2, axis=0)
                 - 2.0 * similarity)
    encoding_indices = jnp.argmin(distances, axis=1)
    # one_hot @ embeddings^T is equivalent to a row-gather of embeddings^T
    quantized = jnp.take(embeddings.T, encoding_indices, axis=0)
    quantized = quantized.reshape(input_shape)
    # (losses computed in keras via add_loss; forward return is the straight-through quantized)
    commitment_loss = BETA * jnp.mean((jax.lax.stop_gradient(quantized) - inputs) ** 2)
    codebook_loss = jnp.mean((quantized - jax.lax.stop_gradient(inputs)) ** 2)
    _ = commitment_loss + codebook_loss  # registered as aux loss in keras; not returned by call()
    out = inputs + jax.lax.stop_gradient(quantized - inputs)
    return out

if __name__ == "__main__":
    import jax
    _d = setup_inputs()
    print(jax.jit(kernel)(*tuple(_d.values())))

</pallas_src>

<mosaic_0001>
#map = affine_map<(d0, d1) -> (0, 0)>
#map1 = affine_map<(d0, d1) -> (0, 0, 0)>
module attributes {stable_mosaic.version = 14 : i64} {
  func.func @_sc_gather_body(%arg0: i32, %arg1: i32, %arg2: memref<8192x128xf32, #tpu.memory_space<hbm>>, %arg3: memref<256x72xi32, #tpu.memory_space<hbm>>, %arg4: memref<256x72x128xf32, #tpu.memory_space<hbm>>, %arg5: memref<8x72xi32, #tpu.memory_space<vmem>>, %arg6: memref<8x72x128xf32, #tpu.memory_space<vmem>>, %arg7: memref<!tpu.dma_semaphore, #tpu.memory_space<semaphore_mem>>) attributes {dimension_semantics = [#tpu.dimension_semantics<core_parallel>, #tpu.dimension_semantics<subcore_parallel>], iteration_bounds = array<i64: 2, 16>, scalar_prefetch = 0 : i64, scratch_operands = 3 : i64, tpu.core_type = #tpu.core_type<sc_vector_subcore>, window_params = [{transform_indices = #map}, {transform_indices = #map}, {transform_indices = #map1}]} {
    %mul3A = arith.constant 2 : i32
    %mul3A_0 = arith.muli %arg1, %mul3A : i32
    %add3A = arith.addi %mul3A_0, %arg0 : i32
    %mul3A_1 = arith.constant 8 : i32
    %mul3A_2 = arith.muli %add3A, %mul3A_1 : i32
    "tpu.region"() ({
      %run_scoped3A = tpu.sem_alloc : memref<!tpu.dma_semaphore, #tpu.memory_space<semaphore_mem>>
      %dma_start3A_193 = arith.constant 0 : i32
      %dma_start3A_194 = tpu.memref_slice %arg3[%mul3A_2, %dma_start3A_193] : memref<256x72xi32, #tpu.memory_space<hbm>> -> memref<8x72xi32, #tpu.memory_space<hbm>>
      %dma_start3A_195 = arith.constant 0 : i32
      %dma_start3A_196 = tpu.memref_slice %arg3[%mul3A_2, %dma_start3A_195] : memref<256x72xi32, #tpu.memory_space<hbm>> -> memref<8x72xi32, #tpu.memory_space<hbm>>
      tpu.enqueue_dma source(%dma_start3A_196 : memref<8x72xi32, #tpu.memory_space<hbm>>) target(%arg5 : memref<8x72xi32, #tpu.memory_space<vmem>>) target_semaphore(%run_scoped3A : memref<!tpu.dma_semaphore, #tpu.memory_space<semaphore_mem>>)
      %dma_wait3A_197 = arith.constant 0 : i32
      %dma_wait3A_198 = tpu.memref_slice %arg3[%mul3A_2, %dma_wait3A_197] : memref<256x72xi32, #tpu.memory_space<hbm>> -> memref<8x72xi32, #tpu.memory_space<hbm>>
      %dma_wait3A_199 = arith.constant 0 : i32
      %dma_wait3A_200 = tpu.memref_slice %arg3[%mul3A_2, %dma_wait3A_199] : memref<256x72xi32, #tpu.memory_space<hbm>> -> memref<8x72xi32, #tpu.memory_space<hbm>>
      tpu.wait_dma2 semaphore(%run_scoped3A : memref<!tpu.dma_semaphore, #tpu.memory_space<semaphore_mem>>) src(%dma_wait3A_200 : memref<8x72xi32, #tpu.memory_space<hbm>>) dst(%arg5 : memref<8x72xi32, #tpu.memory_space<vmem>>)
      tpu.yield
    }) : () -> ()
    %dma_start3A = arith.constant 0 : i32
    %dma_start3A_3 = arith.constant 0 : i32
    %dma_start3A_4 = arith.constant 0 : i32
    %dma_start3A_5 = arith.constant 0 : i32
    %dma_start3A_6 = tpu.memref_slice %arg6[%dma_start3A_3, %dma_start3A_4, %dma_start3A_5] : memref<8x72x128xf32, #tpu.memory_space<vmem>> -> memref<1x72x128xf32, #tpu.memory_space<vmem>>
    %dma_start3A_7 = tpu.memref_squeeze %dma_start3A_6 : memref<1x72x128xf32, #tpu.memory_space<vmem>> -> memref<72x128xf32, #tpu.memory_space<vmem>>
    %dma_start3A_8 = arith.constant 0 : i32
    %dma_start3A_9 = tpu.memref_slice %arg5[%dma_start3A, %dma_start3A_8] : memref<8x72xi32, #tpu.memory_space<vmem>> -> memref<1x72xi32, #tpu.memory_space<vmem>>
    %dma_start3A_10 = tpu.memref_squeeze %dma_start3A_9 : memref<1x72xi32, #tpu.memory_space<vmem>> -> memref<72xi32, #tpu.memory_space<vmem>>
    %dma_start3A_11 = arith.constant 0 : i32
    %dma_start3A_12 = arith.constant 0 : i32
    %dma_start3A_13 = tpu.memref_slice %arg2[%dma_start3A_11, %dma_start3A_12] : memref<8192x128xf32, #tpu.memory_space<hbm>> -> memref<8192x128xf32, #tpu.memory_space<hbm>>
    tpu.enqueue_indirect_dma source(%dma_start3A_13 : memref<8192x128xf32, #tpu.memory_space<hbm>>) target(%dma_start3A_7 : memref<72x128xf32, #tpu.memory_space<vmem>>) offsets(%dma_start3A_10 : memref<72xi32, #tpu.memory_space<vmem>>) semaphore(%arg7 : memref<!tpu.dma_semaphore, #tpu.memory_space<semaphore_mem>>)
    %dma_start3A_14 = arith.constant 1 : i32
    %dma_start3A_15 = arith.constant 1 : i32
    %dma_start3A_16 = arith.constant 0 : i32
    %dma_start3A_17 = arith.constant 0 : i32
    %dma_start3A_18 = tpu.memref_slice %arg6[%dma_start3A_15, %dma_start3A_16, %dma_start3A_17] : memref<8x72x128xf32, #tpu.memory_space<vmem>> -> memref<1x72x128xf32, #tpu.memory_space<vmem>>
    %dma_start3A_19 = tpu.memref_squeeze %dma_start3A_18 : memref<1x72x128xf32, #tpu.memory_space<vmem>> -> memref<72x128xf32, #tpu.memory_space<vmem>>
    %dma_start3A_20 = arith.constant 0 : i32
    %dma_start3A_21 = tpu.memref_slice %arg5[%dma_start3A_14, %dma_start3A_20] : memref<8x72xi32, #tpu.memory_space<vmem>> -> memref<1x72xi32, #tpu.memory_space<vmem>>
    %dma_start3A_22 = tpu.memref_squeeze %dma_start3A_21 : memref<1x72xi32, #tpu.memory_space<vmem>> -> memref<72xi32, #tpu.memory_space<vmem>>
    %dma_start3A_23 = arith.constant 0 : i32
    %dma_start3A_24 = arith.constant 0 : i32
    %dma_start3A_25 = tpu.memref_slice %arg2[%dma_start3A_23, %dma_start3A_24] : memref<8192x128xf32, #tpu.memory_space<hbm>> -> memref<8192x128xf32, #tpu.memory_space<hbm>>
    tpu.enqueue_indirect_dma source(%dma_start3A_25 : memref<8192x128xf32, #tpu.memory_space<hbm>>) target(%dma_start3A_19 : memref<72x128xf32, #tpu.memory_space<vmem>>) offsets(%dma_start3A_22 : memref<72xi32, #tpu.memory_space<vmem>>) semaphore(%arg7 : memref<!tpu.dma_semaphore, #tpu.memory_space<semaphore_mem>>)
    %dma_start3A_26 = arith.constant 2 : i32
    %dma_start3A_27 = arith.constant 2 : i32
    %dma_start3A_28 = arith.constant 0 : i32
    %dma_start3A_29 = arith.constant 0 : i32
    %dma_start3A_30 = tpu.memref_slice %arg6[%dma_start3A_27, %dma_start3A_28, %dma_start3A_29] : memref<8x72x128xf32, #tpu.memory_space<vmem>> -> memref<1x72x128xf32, #tpu.memory_space<vmem>>
    %dma_start3A_31 = tpu.memref_squeeze %dma_start3A_30 : memref<1x72x128xf32, #tpu.memory_space<vmem>> -> memref<72x128xf32, #tpu.memory_space<vmem>>
    %dma_start3A_32 = arith.constant 0 : i32
    %dma_start3A_33 = tpu.memref_slice %arg5[%dma_start3A_26, %dma_start3A_32] : memref<8x72xi32, #tpu.memory_space<vmem>> -> memref<1x72xi32, #tpu.memory_space<vmem>>
    %dma_start3A_34 = tpu.memref_squeeze %dma_start3A_33 : memref<1x72xi32, #tpu.memory_space<vmem>> -> memref<72xi32, #tpu.memory_space<vmem>>
    %dma_start3A_35 = arith.constant 0 : i32
    %dma_start3A_36 = arith.constant 0 : i32
    %dma_start3A_37 = tpu.memref_slice %arg2[%dma_start3A_35, %dma_start3A_36] : memref<8192x128xf32, #tpu.memory_space<hbm>> -> memref<8192x128xf32, #tpu.memory_space<hbm>>
    tpu.enqueue_indirect_dma source(%dma_start3A_37 : memref<8192x128xf32, #tpu.memory_space<hbm>>) target(%dma_start3A_31 : memref<72x128xf32, #tpu.memory_space<vmem>>) offsets(%dma_start3A_34 : memref<72xi32, #tpu.memory_space<vmem>>) semaphore(%arg7 : memref<!tpu.dma_semaphore, #tpu.memory_space<semaphore_mem>>)
    %dma_start3A_38 = arith.constant 3 : i32
    %dma_start3A_39 = arith.constant 3 : i32
    %dma_start3A_40 = arith.constant 0 : i32
    %dma_start3A_41 = arith.constant 0 : i32
    %dma_start3A_42 = tpu.memref_slice %arg6[%dma_start3A_39, %dma_start3A_40, %dma_start3A_41] : memref<8x72x128xf32, #tpu.memory_space<vmem>> -> memref<1x72x128xf32, #tpu.memory_space<vmem>>
    %dma_start3A_43 = tpu.memref_squeeze %dma_start3A_42 : memref<1x72x128xf32, #tpu.memory_space<vmem>> -> memref<72x128xf32, #tpu.memory_space<vmem>>
    %dma_start3A_44 = arith.constant 0 : i32
    %dma_start3A_45 = tpu.memref_slice %arg5[%dma_start3A_38, %dma_start3A_44] : memref<8x72xi32, #tpu.memory_space<vmem>> -> memref<1x72xi32, #tpu.memory_space<vmem>>
    %dma_start3A_46 = tpu.memref_squeeze %dma_start3A_45 : memref<1x72xi32, #tpu.memory_space<vmem>> -> memref<72xi32, #tpu.memory_space<vmem>>
    %dma_start3A_47 = arith.constant 0 : i32
    %dma_start3A_48 = arith.constant 0 : i32
    %dma_start3A_49 = tpu.memref_slice %arg2[%dma_start3A_47, %dma_start3A_48] : memref<8192x128xf32, #tpu.memory_space<hbm>> -> memref<8192x128xf32, #tpu.memory_space<hbm>>
    tpu.enqueue_indirect_dma source(%dma_start3A_49 : memref<8192x128xf32, #tpu.memory_space<hbm>>) target(%dma_start3A_43 : memref<72x128xf32, #tpu.memory_space<vmem>>) offsets(%dma_start3A_46 : memref<72xi32, #tpu.memory_space<vmem>>) semaphore(%arg7 : memref<!tpu.dma_semaphore, #tpu.memory_space<semaphore_mem>>)
    %dma_start3A_50 = arith.constant 4 : i32
    %dma_start3A_51 = arith.constant 4 : i32
    %dma_start3A_52 = arith.constant 0 : i32
    %dma_start3A_53 = arith.constant 0 : i32
    %dma_start3A_54 = tpu.memref_slice %arg6[%dma_start3A_51, %dma_start3A_52, %dma_start3A_53] : memref<8x72x128xf32, #tpu.memory_space<vmem>> -> memref<1x72x128xf32, #tpu.memory_space<vmem>>
    %dma_start3A_55 = tpu.memref_squeeze %dma_start3A_54 : memref<1x72x128xf32, #tpu.memory_space<vmem>> -> memref<72x128xf32, #tpu.memory_space<vmem>>
    %dma_start3A_56 = arith.constant 0 : i32
    %dma_start3A_57 = tpu.memref_slice %arg5[%dma_start3A_50, %dma_start3A_56] : memref<8x72xi32, #tpu.memory_space<vmem>> -> memref<1x72xi32, #tpu.memory_space<vmem>>
    %dma_start3A_58 = tpu.memref_squeeze %dma_start3A_57 : memref<1x72xi32, #tpu.memory_space<vmem>> -> memref<72xi32, #tpu.memory_space<vmem>>
    %dma_start3A_59 = arith.constant 0 : i32
    %dma_start3A_60 = arith.constant 0 : i32
    %dma_start3A_61 = tpu.memref_slice %arg2[%dma_start3A_59, %dma_start3A_60] : memref<8192x128xf32, #tpu.memory_space<hbm>> -> memref<8192x128xf32, #tpu.memory_space<hbm>>
    tpu.enqueue_indirect_dma source(%dma_start3A_61 : memref<8192x128xf32, #tpu.memory_space<hbm>>) target(%dma_start3A_55 : memref<72x128xf32, #tpu.memory_space<vmem>>) offsets(%dma_start3A_58 : memref<72xi32, #tpu.memory_space<vmem>>) semaphore(%arg7 : memref<!tpu.dma_semaphore, #tpu.memory_space<semaphore_mem>>)
    %dma_start3A_62 = arith.constant 5 : i32
    %dma_start3A_63 = arith.constant 5 : i32
    %dma_start3A_64 = arith.constant 0 : i32
    %dma_start3A_65 = arith.constant 0 : i32
    %dma_start3A_66 = tpu.memref_slice %arg6[%dma_start3A_63, %dma_start3A_64, %dma_start3A_65] : memref<8x72x128xf32, #tpu.memory_space<vmem>> -> memref<1x72x128xf32, #tpu.memory_space<vmem>>
    %dma_start3A_67 = tpu.memref_squeeze %dma_start3A_66 : memref<1x72x128xf32, #tpu.memory_space<vmem>> -> memref<72x128xf32, #tpu.memory_space<vmem>>
    %dma_start3A_68 = arith.constant 0 : i32
    %dma_start3A_69 = tpu.memref_slice %arg5[%dma_start3A_62, %dma_start3A_68] : memref<8x72xi32, #tpu.memory_space<vmem>> -> memref<1x72xi32, #tpu.memory_space<vmem>>
    %dma_start3A_70 = tpu.memref_squeeze %dma_start3A_69 : memref<1x72xi32, #tpu.memory_space<vmem>> -> memref<72xi32, #tpu.memory_space<vmem>>
    %dma_start3A_71 = arith.constant 0 : i32
    %dma_start3A_72 = arith.constant 0 : i32
    %dma_start3A_73 = tpu.memref_slice %arg2[%dma_start3A_71, %dma_start3A_72] : memref<8192x128xf32, #tpu.memory_space<hbm>> -> memref<8192x128xf32, #tpu.memory_space<hbm>>
    tpu.enqueue_indirect_dma source(%dma_start3A_73 : memref<8192x128xf32, #tpu.memory_space<hbm>>) target(%dma_start3A_67 : memref<72x128xf32, #tpu.memory_space<vmem>>) offsets(%dma_start3A_70 : memref<72xi32, #tpu.memory_space<vmem>>) semaphore(%arg7 : memref<!tpu.dma_semaphore, #tpu.memory_space<semaphore_mem>>)
    %dma_start3A_74 = arith.constant 6 : i32
    %dma_start3A_75 = arith.constant 6 : i32
    %dma_start3A_76 = arith.constant 0 : i32
    %dma_start3A_77 = arith.constant 0 : i32
    %dma_start3A_78 = tpu.memref_slice %arg6[%dma_start3A_75, %dma_start3A_76, %dma_start3A_77] : memref<8x72x128xf32, #tpu.memory_space<vmem>> -> memref<1x72x128xf32, #tpu.memory_space<vmem>>
    %dma_start3A_79 = tpu.memref_squeeze %dma_start3A_78 : memref<1x72x128xf32, #tpu.memory_space<vmem>> -> memref<72x128xf32, #tpu.memory_space<vmem>>
    %dma_start3A_80 = arith.constant 0 : i32
    %dma_start3A_81 = tpu.memref_slice %arg5[%dma_start3A_74, %dma_start3A_80] : memref<8x72xi32, #tpu.memory_space<vmem>> -> memref<1x72xi32, #tpu.memory_space<vmem>>
    %dma_start3A_82 = tpu.memref_squeeze %dma_start3A_81 : memref<1x72xi32, #tpu.memory_space<vmem>> -> memref<72xi32, #tpu.memory_space<vmem>>
    %dma_start3A_83 = arith.constant 0 : i32
    %dma_start3A_84 = arith.constant 0 : i32
    %dma_start3A_85 = tpu.memref_slice %arg2[%dma_start3A_83, %dma_start3A_84] : memref<8192x128xf32, #tpu.memory_space<hbm>> -> memref<8192x128xf32, #tpu.memory_space<hbm>>
    tpu.enqueue_indirect_dma source(%dma_start3A_85 : memref<8192x128xf32, #tpu.memory_space<hbm>>) target(%dma_start3A_79 : memref<72x128xf32, #tpu.memory_space<vmem>>) offsets(%dma_start3A_82 : memref<72xi32, #tpu.memory_space<vmem>>) semaphore(%arg7 : memref<!tpu.dma_semaphore, #tpu.memory_space<semaphore_mem>>)
    %dma_start3A_86 = arith.constant 7 : i32
    %dma_start3A_87 = arith.constant 7 : i32
    %dma_start3A_88 = arith.constant 0 : i32
    %dma_start3A_89 = arith.constant 0 : i32
    %dma_start3A_90 = tpu.memref_slice %arg6[%dma_start3A_87, %dma_start3A_88, %dma_start3A_89] : memref<8x72x128xf32, #tpu.memory_space<vmem>> -> memref<1x72x128xf32, #tpu.memory_space<vmem>>
    %dma_start3A_91 = tpu.memref_squeeze %dma_start3A_90 : memref<1x72x128xf32, #tpu.memory_space<vmem>> -> memref<72x128xf32, #tpu.memory_space<vmem>>
    %dma_start3A_92 = arith.constant 0 : i32
    %dma_start3A_93 = tpu.memref_slice %arg5[%dma_start3A_86, %dma_start3A_92] : memref<8x72xi32, #tpu.memory_space<vmem>> -> memref<1x72xi32, #tpu.memory_space<vmem>>
    %dma_start3A_94 = tpu.memref_squeeze %dma_start3A_93 : memref<1x72xi32, #tpu.memory_space<vmem>> -> memref<72xi32, #tpu.memory_space<vmem>>
    %dma_start3A_95 = arith.constant 0 : i32
    %dma_start3A_96 = arith.constant 0 : i32
    %dma_start3A_97 = tpu.memref_slice %arg2[%dma_start3A_95, %dma_start3A_96] : memref<8192x128xf32, #tpu.memory_space<hbm>> -> memref<8192x128xf32, #tpu.memory_space<hbm>>
    tpu.enqueue_indirect_dma source(%dma_start3A_97 : memref<8192x128xf32, #tpu.memory_space<hbm>>) target(%dma_start3A_91 : memref<72x128xf32, #tpu.memory_space<vmem>>) offsets(%dma_start3A_94 : memref<72xi32, #tpu.memory_space<vmem>>) semaphore(%arg7 : memref<!tpu.dma_semaphore, #tpu.memory_space<semaphore_mem>>)
    %dma_wait3A = arith.constant 0 : i32
    %dma_wait3A_98 = arith.constant 0 : i32
    %dma_wait3A_99 = arith.constant 0 : i32
    %dma_wait3A_100 = arith.constant 0 : i32
    %dma_wait3A_101 = tpu.memref_slice %arg6[%dma_wait3A_98, %dma_wait3A_99, %dma_wait3A_100] : memref<8x72x128xf32, #tpu.memory_space<vmem>> -> memref<1x72x128xf32, #tpu.memory_space<vmem>>
    %dma_wait3A_102 = tpu.memref_squeeze %dma_wait3A_101 : memref<1x72x128xf32, #tpu.memory_space<vmem>> -> memref<72x128xf32, #tpu.memory_space<vmem>>
    %dma_wait3A_103 = arith.constant 0 : i32
    %dma_wait3A_104 = tpu.memref_slice %arg5[%dma_wait3A, %dma_wait3A_103] : memref<8x72xi32, #tpu.memory_space<vmem>> -> memref<1x72xi32, #tpu.memory_space<vmem>>
    %dma_wait3A_105 = tpu.memref_squeeze %dma_wait3A_104 : memref<1x72xi32, #tpu.memory_space<vmem>> -> memref<72xi32, #tpu.memory_space<vmem>>
    %dma_wait3A_106 = arith.constant 0 : i32
    %dma_wait3A_107 = arith.constant 0 : i32
    %dma_wait3A_108 = tpu.memref_slice %arg2[%dma_wait3A_106, %dma_wait3A_107] : memref<8192x128xf32, #tpu.memory_space<hbm>> -> memref<8192x128xf32, #tpu.memory_space<hbm>>
    tpu.wait_indirect_dma semaphore(%arg7 : memref<!tpu.dma_semaphore, #tpu.memory_space<semaphore_mem>>) src(%dma_wait3A_108 : memref<8192x128xf32, #tpu.memory_space<hbm>>) dst(%dma_wait3A_102 : memref<72x128xf32, #tpu.memory_space<vmem>>)
    %dma_wait3A_109 = arith.constant 1 : i32
    %dma_wait3A_110 = arith.constant 1 : i32
    %dma_wait3A_111 = arith.constant 0 : i32
    %dma_wait3A_112 = arith.constant 0 : i32
    %dma_wait3A_113 = tpu.memref_slice %arg6[%dma_wait3A_110, %dma_wait3A_111, %dma_wait3A_112] : memref<8x72x128xf32, #tpu.memory_space<vmem>> -> memref<1x72x128xf32, #tpu.memory_space<vmem>>
    %dma_wait3A_114 = tpu.memref_squeeze %dma_wait3A_113 : memref<1x72x128xf32, #tpu.memory_space<vmem>> -> memref<72x128xf32, #tpu.memory_space<vmem>>
    %dma_wait3A_115 = arith.constant 0 : i32
    %dma_wait3A_116 = tpu.memref_slice %arg5[%dma_wait3A_109, %dma_wait3A_115] : memref<8x72xi32, #tpu.memory_space<vmem>> -> memref<1x72xi32, #tpu.memory_space<vmem>>
    %dma_wait3A_117 = tpu.memref_squeeze %dma_wait3A_116 : memref<1x72xi32, #tpu.memory_space<vmem>> -> memref<72xi32, #tpu.memory_space<vmem>>
    %dma_wait3A_118 = arith.constant 0 : i32
    %dma_wait3A_119 = arith.constant 0 : i32
    %dma_wait3A_120 = tpu.memref_slice %arg2[%dma_wait3A_118, %dma_wait3A_119] : memref<8192x128xf32, #tpu.memory_space<hbm>> -> memref<8192x128xf32, #tpu.memory_space<hbm>>
    tpu.wait_indirect_dma semaphore(%arg7 : memref<!tpu.dma_semaphore, #tpu.memory_space<semaphore_mem>>) src(%dma_wait3A_120 : memref<8192x128xf32, #tpu.memory_space<hbm>>) dst(%dma_wait3A_114 : memref<72x128xf32, #tpu.memory_space<vmem>>)
    %dma_wait3A_121 = arith.constant 2 : i32
    %dma_wait3A_122 = arith.constant 2 : i32
    %dma_wait3A_123 = arith.constant 0 : i32
    %dma_wait3A_124 = arith.constant 0 : i32
    %dma_wait3A_125 = tpu.memref_slice %arg6[%dma_wait3A_122, %dma_wait3A_123, %dma_wait3A_124] : memref<8x72x128xf32, #tpu.memory_space<vmem>> -> memref<1x72x128xf32, #tpu.memory_space<vmem>>
    %dma_wait3A_126 = tpu.memref_squeeze %dma_wait3A_125 : memref<1x72x128xf32, #tpu.memory_space<vmem>> -> memref<72x128xf32, #tpu.memory_space<vmem>>
    %dma_wait3A_127 = arith.constant 0 : i32
    %dma_wait3A_128 = tpu.memref_slice %arg5[%dma_wait3A_121, %dma_wait3A_127] : memref<8x72xi32, #tpu.memory_space<vmem>> -> memref<1x72xi32, #tpu.memory_space<vmem>>
    %dma_wait3A_129 = tpu.memref_squeeze %dma_wait3A_128 : memref<1x72xi32, #tpu.memory_space<vmem>> -> memref<72xi32, #tpu.memory_space<vmem>>
    %dma_wait3A_130 = arith.constant 0 : i32
    %dma_wait3A_131 = arith.constant 0 : i32
    %dma_wait3A_132 = tpu.memref_slice %arg2[%dma_wait3A_130, %dma_wait3A_131] : memref<8192x128xf32, #tpu.memory_space<hbm>> -> memref<8192x128xf32, #tpu.memory_space<hbm>>
    tpu.wait_indirect_dma semaphore(%arg7 : memref<!tpu.dma_semaphore, #tpu.memory_space<semaphore_mem>>) src(%dma_wait3A_132 : memref<8192x128xf32, #tpu.memory_space<hbm>>) dst(%dma_wait3A_126 : memref<72x128xf32, #tpu.memory_space<vmem>>)
    %dma_wait3A_133 = arith.constant 3 : i32
    %dma_wait3A_134 = arith.constant 3 : i32
    %dma_wait3A_135 = arith.constant 0 : i32
    %dma_wait3A_136 = arith.constant 0 : i32
    %dma_wait3A_137 = tpu.memref_slice %arg6[%dma_wait3A_134, %dma_wait3A_135, %dma_wait3A_136] : memref<8x72x128xf32, #tpu.memory_space<vmem>> -> memref<1x72x128xf32, #tpu.memory_space<vmem>>
    %dma_wait3A_138 = tpu.memref_squeeze %dma_wait3A_137 : memref<1x72x128xf32, #tpu.memory_space<vmem>> -> memref<72x128xf32, #tpu.memory_space<vmem>>
    %dma_wait3A_139 = arith.constant 0 : i32
    %dma_wait3A_140 = tpu.memref_slice %arg5[%dma_wait3A_133, %dma_wait3A_139] : memref<8x72xi32, #tpu.memory_space<vmem>> -> memref<1x72xi32, #tpu.memory_space<vmem>>
    %dma_wait3A_141 = tpu.memref_squeeze %dma_wait3A_140 : memref<1x72xi32, #tpu.memory_space<vmem>> -> memref<72xi32, #tpu.memory_space<vmem>>
    %dma_wait3A_142 = arith.constant 0 : i32
    %dma_wait3A_143 = arith.constant 0 : i32
    %dma_wait3A_144 = tpu.memref_slice %arg2[%dma_wait3A_142, %dma_wait3A_143] : memref<8192x128xf32, #tpu.memory_space<hbm>> -> memref<8192x128xf32, #tpu.memory_space<hbm>>
    tpu.wait_indirect_dma semaphore(%arg7 : memref<!tpu.dma_semaphore, #tpu.memory_space<semaphore_mem>>) src(%dma_wait3A_144 : memref<8192x128xf32, #tpu.memory_space<hbm>>) dst(%dma_wait3A_138 : memref<72x128xf32, #tpu.memory_space<vmem>>)
    %dma_wait3A_145 = arith.constant 4 : i32
    %dma_wait3A_146 = arith.constant 4 : i32
    %dma_wait3A_147 = arith.constant 0 : i32
    %dma_wait3A_148 = arith.constant 0 : i32
    %dma_wait3A_149 = tpu.memref_slice %arg6[%dma_wait3A_146, %dma_wait3A_147, %dma_wait3A_148] : memref<8x72x128xf32, #tpu.memory_space<vmem>> -> memref<1x72x128xf32, #tpu.memory_space<vmem>>
    %dma_wait3A_150 = tpu.memref_squeeze %dma_wait3A_149 : memref<1x72x128xf32, #tpu.memory_space<vmem>> -> memref<72x128xf32, #tpu.memory_space<vmem>>
    %dma_wait3A_151 = arith.constant 0 : i32
    %dma_wait3A_152 = tpu.memref_slice %arg5[%dma_wait3A_145, %dma_wait3A_151] : memref<8x72xi32, #tpu.memory_space<vmem>> -> memref<1x72xi32, #tpu.memory_space<vmem>>
    %dma_wait3A_153 = tpu.memref_squeeze %dma_wait3A_152 : memref<1x72xi32, #tpu.memory_space<vmem>> -> memref<72xi32, #tpu.memory_space<vmem>>
    %dma_wait3A_154 = arith.constant 0 : i32
    %dma_wait3A_155 = arith.constant 0 : i32
    %dma_wait3A_156 = tpu.memref_slice %arg2[%dma_wait3A_154, %dma_wait3A_155] : memref<8192x128xf32, #tpu.memory_space<hbm>> -> memref<8192x128xf32, #tpu.memory_space<hbm>>
    tpu.wait_indirect_dma semaphore(%arg7 : memref<!tpu.dma_semaphore, #tpu.memory_space<semaphore_mem>>) src(%dma_wait3A_156 : memref<8192x128xf32, #tpu.memory_space<hbm>>) dst(%dma_wait3A_150 : memref<72x128xf32, #tpu.memory_space<vmem>>)
    %dma_wait3A_157 = arith.constant 5 : i32
    %dma_wait3A_158 = arith.constant 5 : i32
    %dma_wait3A_159 = arith.constant 0 : i32
    %dma_wait3A_160 = arith.constant 0 : i32
    %dma_wait3A_161 = tpu.memref_slice %arg6[%dma_wait3A_158, %dma_wait3A_159, %dma_wait3A_160] : memref<8x72x128xf32, #tpu.memory_space<vmem>> -> memref<1x72x128xf32, #tpu.memory_space<vmem>>
    %dma_wait3A_162 = tpu.memref_squeeze %dma_wait3A_161 : memref<1x72x128xf32, #tpu.memory_space<vmem>> -> memref<72x128xf32, #tpu.memory_space<vmem>>
    %dma_wait3A_163 = arith.constant 0 : i32
    %dma_wait3A_164 = tpu.memref_slice %arg5[%dma_wait3A_157, %dma_wait3A_163] : memref<8x72xi32, #tpu.memory_space<vmem>> -> memref<1x72xi32, #tpu.memory_space<vmem>>
    %dma_wait3A_165 = tpu.memref_squeeze %dma_wait3A_164 : memref<1x72xi32, #tpu.memory_space<vmem>> -> memref<72xi32, #tpu.memory_space<vmem>>
    %dma_wait3A_166 = arith.constant 0 : i32
    %dma_wait3A_167 = arith.constant 0 : i32
    %dma_wait3A_168 = tpu.memref_slice %arg2[%dma_wait3A_166, %dma_wait3A_167] : memref<8192x128xf32, #tpu.memory_space<hbm>> -> memref<8192x128xf32, #tpu.memory_space<hbm>>
    tpu.wait_indirect_dma semaphore(%arg7 : memref<!tpu.dma_semaphore, #tpu.memory_space<semaphore_mem>>) src(%dma_wait3A_168 : memref<8192x128xf32, #tpu.memory_space<hbm>>) dst(%dma_wait3A_162 : memref<72x128xf32, #tpu.memory_space<vmem>>)
    %dma_wait3A_169 = arith.constant 6 : i32
    %dma_wait3A_170 = arith.constant 6 : i32
    %dma_wait3A_171 = arith.constant 0 : i32
    %dma_wait3A_172 = arith.constant 0 : i32
    %dma_wait3A_173 = tpu.memref_slice %arg6[%dma_wait3A_170, %dma_wait3A_171, %dma_wait3A_172] : memref<8x72x128xf32, #tpu.memory_space<vmem>> -> memref<1x72x128xf32, #tpu.memory_space<vmem>>
    %dma_wait3A_174 = tpu.memref_squeeze %dma_wait3A_173 : memref<1x72x128xf32, #tpu.memory_space<vmem>> -> memref<72x128xf32, #tpu.memory_space<vmem>>
    %dma_wait3A_175 = arith.constant 0 : i32
    %dma_wait3A_176 = tpu.memref_slice %arg5[%dma_wait3A_169, %dma_wait3A_175] : memref<8x72xi32, #tpu.memory_space<vmem>> -> memref<1x72xi32, #tpu.memory_space<vmem>>
    %dma_wait3A_177 = tpu.memref_squeeze %dma_wait3A_176 : memref<1x72xi32, #tpu.memory_space<vmem>> -> memref<72xi32, #tpu.memory_space<vmem>>
    %dma_wait3A_178 = arith.constant 0 : i32
    %dma_wait3A_179 = arith.constant 0 : i32
    %dma_wait3A_180 = tpu.memref_slice %arg2[%dma_wait3A_178, %dma_wait3A_179] : memref<8192x128xf32, #tpu.memory_space<hbm>> -> memref<8192x128xf32, #tpu.memory_space<hbm>>
    tpu.wait_indirect_dma semaphore(%arg7 : memref<!tpu.dma_semaphore, #tpu.memory_space<semaphore_mem>>) src(%dma_wait3A_180 : memref<8192x128xf32, #tpu.memory_space<hbm>>) dst(%dma_wait3A_174 : memref<72x128xf32, #tpu.memory_space<vmem>>)
    %dma_wait3A_181 = arith.constant 7 : i32
    %dma_wait3A_182 = arith.constant 7 : i32
    %dma_wait3A_183 = arith.constant 0 : i32
    %dma_wait3A_184 = arith.constant 0 : i32
    %dma_wait3A_185 = tpu.memref_slice %arg6[%dma_wait3A_182, %dma_wait3A_183, %dma_wait3A_184] : memref<8x72x128xf32, #tpu.memory_space<vmem>> -> memref<1x72x128xf32, #tpu.memory_space<vmem>>
    %dma_wait3A_186 = tpu.memref_squeeze %dma_wait3A_185 : memref<1x72x128xf32, #tpu.memory_space<vmem>> -> memref<72x128xf32, #tpu.memory_space<vmem>>
    %dma_wait3A_187 = arith.constant 0 : i32
    %dma_wait3A_188 = tpu.memref_slice %arg5[%dma_wait3A_181, %dma_wait3A_187] : memref<8x72xi32, #tpu.memory_space<vmem>> -> memref<1x72xi32, #tpu.memory_space<vmem>>
    %dma_wait3A_189 = tpu.memref_squeeze %dma_wait3A_188 : memref<1x72xi32, #tpu.memory_space<vmem>> -> memref<72xi32, #tpu.memory_space<vmem>>
    %dma_wait3A_190 = arith.constant 0 : i32
    %dma_wait3A_191 = arith.constant 0 : i32
    %dma_wait3A_192 = tpu.memref_slice %arg2[%dma_wait3A_190, %dma_wait3A_191] : memref<8192x128xf32, #tpu.memory_space<hbm>> -> memref<8192x128xf32, #tpu.memory_space<hbm>>
    tpu.wait_indirect_dma semaphore(%arg7 : memref<!tpu.dma_semaphore, #tpu.memory_space<semaphore_mem>>) src(%dma_wait3A_192 : memref<8192x128xf32, #tpu.memory_space<hbm>>) dst(%dma_wait3A_186 : memref<72x128xf32, #tpu.memory_space<vmem>>)
    "tpu.region"() ({
      %run_scoped3A = tpu.sem_alloc : memref<!tpu.dma_semaphore, #tpu.memory_space<semaphore_mem>>
      %dma_start3A_193 = arith.constant 0 : i32
      %dma_start3A_194 = arith.constant 0 : i32
      %dma_start3A_195 = tpu.memref_slice %arg4[%mul3A_2, %dma_start3A_193, %dma_start3A_194] : memref<256x72x128xf32, #tpu.memory_space<hbm>> -> memref<8x72x128xf32, #tpu.memory_space<hbm>>
      %dma_start3A_196 = arith.constant 0 : i32
      %dma_start3A_197 = arith.constant 0 : i32
      %dma_start3A_198 = tpu.memref_slice %arg4[%mul3A_2, %dma_start3A_196, %dma_start3A_197] : memref<256x72x128xf32, #tpu.memory_space<hbm>> -> memref<8x72x128xf32, #tpu.memory_space<hbm>>
      tpu.enqueue_dma source(%arg6 : memref<8x72x128xf32, #tpu.memory_space<vmem>>) target(%dma_start3A_198 : memref<8x72x128xf32, #tpu.memory_space<hbm>>) target_semaphore(%run_scoped3A : memref<!tpu.dma_semaphore, #tpu.memory_space<semaphore_mem>>)
      %dma_wait3A_199 = arith.constant 0 : i32
      %dma_wait3A_200 = arith.constant 0 : i32
      %dma_wait3A_201 = tpu.memref_slice %arg4[%mul3A_2, %dma_wait3A_199, %dma_wait3A_200] : memref<256x72x128xf32, #tpu.memory_space<hbm>> -> memref<8x72x128xf32, #tpu.memory_space<hbm>>
      %dma_wait3A_202 = arith.constant 0 : i32
      %dma_wait3A_203 = arith.constant 0 : i32
      %dma_wait3A_204 = tpu.memref_slice %arg4[%mul3A_2, %dma_wait3A_202, %dma_wait3A_203] : memref<256x72x128xf32, #tpu.memory_space<hbm>> -> memref<8x72x128xf32, #tpu.memory_space<hbm>>
      tpu.wait_dma2 semaphore(%run_scoped3A : memref<!tpu.dma_semaphore, #tpu.memory_space<semaphore_mem>>) src(%arg6 : memref<8x72x128xf32, #tpu.memory_space<vmem>>) dst(%dma_wait3A_204 : memref<8x72x128xf32, #tpu.memory_space<hbm>>)
      tpu.yield
    }) : () -> ()
    return
  }
}

</mosaic_0001>

<sc_bundles>
// kernel: kernel.3.cloned.1.call-start
scs
__scs_entry_jumppad:
0x0: {  	(pc) =	sbr.rel $0x88, $3  }
0x1: {  	(tag) =	ssettag $0x0;
	lr =	simm.s32 $0x1  }
0x2: {  	[smem:$0x3F9F] =	sst lr;
	_ =	strace $0xD0000000  }
0x3: {  	_ = 	snop  }
0x4: {  	_ = 	snop  }
0x5: {  	_ = 	snop  }
0x6: {  	_ = 	snop  }
0x7: {  	_ = 	snop  }
__scs_overlays_trampoline_lowered:
0x8: {  	[smem:$0x3FAE] =	sst s0  }
0x9: {  	[smem:$0x3FAF] =	sst s1  }
0xa: {  	[smem:$0x3FB0] =	sst s2  }
0xb: {  	[smem:$0x3FB1] =	sst s3  }
0xc: {  	[smem:$0x3FB2] =	sst s4  }
0xd: {  	[smem:$0x3FB3] =	sst s5  }
0xe: {  	[smem:$0x3FB4] =	sst s6  }
0xf: {  	[smem:$0x3FB5] =	sst s7  }
0x10: {  	[smem:$0x3FB6] =	sst s8  }
0x11: {  	[smem:$0x3FB7] =	sst s9;
	s0 =	simm.s32 @!p0 $0x0  }
0x12: {  	s1 =	sld [smem:$0x3F9D];
	s0 =	simm.s32 @p0 $0x1  }
0x13: {  	[smem:$0x3FB8] =	sst s0;
	s0 =	simm.s32 @!p1 $0x0  }
0x14: {  	s2 =	sld [smem:$0x3F9C];
	s0 =	simm.s32 @p1 $0x1  }
0x15: {  	[smem:$0x3FB9] =	sst s0;
	s0 =	simm.s32 @!p2 $0x0  }
0x16: {  	s3 =	sld [smem:$0x3FDB];
	s0 =	simm.s32 @p2 $0x1  }
0x17: {  	s4 =	simm.s32 $0x1BF5;
	[smem:$0x3FBB] =	sst s0  }
0x18: {  	s0 =	sld [smem:$0x3F9E];
	_ =	swait.ge [sflag:s4], $0x0  }
0x19: {  	s7 =	sld [smem:$0x3F9F]  }
0x1a: {  	s8 =	sadd.s32 $0xFFFFE003, lr  }
0x1b: {  	s9 =	sadd.s32 $0xFFFFFEF7, lr;
	s5 =	simm.s32 $0xFFFFFFFF;
	p2 =	slt.u32 s8, $0xFFFFF086  }
0x1c: {  	p1 =	slt.u32 s9, $0xF7A;
	s5 =	simm.s32 @!p2 $0x0  }
0x1d: {  	s5 =	simm.s32 @p1 $0x1;
	p0 =	seq.s32 s7, s2  }
0x1e: {  	s7 =	smul.u32 @!p0 $0xF7A, s2;
	p2 =	seq.s32 @!p0 s5, $0x0  }
0x1f: {  	s9 =	smul.u32 $0xF7A, s1;
	s8 =	simm.s32 @!p0 $0x1BF5;
	p2 =	por !p2, p0  }
0x20: {  	[sflag:s8] =	ssyncset.s32 @!p0 $0xFFFFF086;
	s6 =	sadd.s32 @!p0 s3, s7;
	s7 =	simm.s32 @!p0 $0x108  }
0x21: {  	s3 =	sadd.s32 s3, s9;
	s6 =	sadd.s32 @!p0 $0x88, s6;
	s7 =	simm.s32 @p2 $0x1082  }
0x22: {  	[simem:s7], [sflag:s8] =	dma.local @!p0 [hbm:s6], $0xF7A  }
0x23: {  	s9 =	sor.u32 $0xD0000000, s2;
	s6 =	simm.s32 $0x108;
	_ =	swait.ge @!p0 [sflag:s8], $0x0  }
0x24: {  	s3 =	sadd.s32 $0x88, s3;
	s6 =	simm.s32 @!p1 $0x1082;
	[sflag:s4] =	ssyncset.s32 $0xFFFFF086  }
0x25: {  	[simem:s6], [sflag:s4] =	dma.local [hbm:s3], $0xF7A  }
0x26: {  	[smem:$0x3F9F] =	sst s1;
	(tag) =	ssettag s2;
	_ =	strace s9  }
0x27: {  	s1 =	sld [smem:$0x3FAF]  }
0x28: {  	s2 =	sld [smem:$0x3FB0]  }
0x29: {  	s4 =	sld [smem:$0x3FB2]  }
0x2a: {  	p0 =	seq.s32 s5, $0x0;
	s5 =	sld [smem:$0x3FB3]  }
0x2b: {  	s6 =	sld [smem:$0x3FB4]  }
0x2c: {  	s7 =	sld [smem:$0x3FB5]  }
0x2d: {  	s3 =	simm.s32 $0x108;
	s8 =	sld [smem:$0x3FB6]  }
0x2e: {  	s3 =	simm.s32 @!p0 $0x1082;
	s9 =	sld [smem:$0x3FB7]  }
0x2f: {  	lr =	sadd.s32 s0, s3;
	s0 =	sld [smem:$0x3FAE]  }
0x30: {  	s3 =	sld [smem:$0x3FB1]  }
0x31: {  	[smem:$0x3FBA] =	sst s10  }
0x32: {  	s10 =	sld [smem:$0x3FB8];
	_ =	sdelay $0x3  }
0x33: {  	p0 =	seq.s32 s10, $0x1;
	s10 =	sld [smem:$0x3FBA];
	_ =	sdelay $0x3  }
0x34: {  	[smem:$0x3FBA] =	sst s10  }
0x35: {  	s10 =	sld [smem:$0x3FB9];
	_ =	sdelay $0x3  }
0x36: {  	p1 =	seq.s32 s10, $0x1;
	s10 =	sld [smem:$0x3FBA];
	_ =	sdelay $0x3  }
0x37: {  	[smem:$0x3FBA] =	sst s10  }
0x38: {  	s10 =	sld [smem:$0x3FBB]  }
0x39: {  	_ = 	snop;
	(pc) =	sbr.ind lr, $3  }
0x3a: {  	_ = 	snop  }
0x3b: {  	_ = 	snop  }
0x3c: {  	p2 =	seq.s32 s10, $0x1;
	s10 =	sld [smem:$0x3FBA]  }
0x3d: {  	_ =	shalt  }
0x3e: {  	_ =	shalt  }
0x3f: {  	_ =	shalt  }
0x40: {  	_ =	shalt  }
0x41: {  	_ =	shalt  }
0x42: {  	_ =	shalt  }
0x43: {  	_ =	shalt  }
0x44: {  	_ =	shalt  }
0x45: {  	_ =	shalt  }
0x46: {  	_ =	shalt  }
0x47: {  	_ =	shalt  }
0x48: {  	_ =	shalt  }
0x49: {  	_ =	shalt  }
0x4a: {  	_ =	shalt  }
0x4b: {  	_ =	shalt  }
0x4c: {  	_ =	shalt  }
0x4d: {  	_ =	shalt  }
0x4e: {  	_ =	shalt  }
0x4f: {  	_ =	shalt  }
0x50: {  	_ =	shalt  }
0x51: {  	_ =	shalt  }
0x52: {  	_ =	shalt  }
0x53: {  	_ =	shalt  }
0x54: {  	_ =	shalt  }
0x55: {  	_ =	shalt  }
0x56: {  	_ =	shalt  }
0x57: {  	_ =	shalt  }
0x58: {  	_ =	shalt  }
0x59: {  	_ =	shalt  }
0x5a: {  	_ =	shalt  }
0x5b: {  	_ =	shalt  }
0x5c: {  	_ =	shalt  }
0x5d: {  	_ =	shalt  }
0x5e: {  	_ =	shalt  }
0x5f: {  	_ =	shalt  }
0x60: {  	_ =	shalt  }
0x61: {  	_ =	shalt  }
0x62: {  	_ =	shalt  }
0x63: {  	_ =	shalt  }
0x64: {  	_ =	shalt  }
0x65: {  	_ =	shalt  }
0x66: {  	_ =	shalt  }
0x67: {  	_ =	shalt  }
0x68: {  	_ =	shalt  }
0x69: {  	_ =	shalt  }
0x6a: {  	_ =	shalt  }
0x6b: {  	_ =	shalt  }
0x6c: {  	_ =	shalt  }
0x6d: {  	_ =	shalt  }
0x6e: {  	_ =	shalt  }
0x6f: {  	_ =	shalt  }
0x70: {  	_ =	shalt  }
0x71: {  	_ =	shalt  }
0x72: {  	_ =	shalt  }
0x73: {  	_ =	shalt  }
0x74: {  	_ =	shalt  }
0x75: {  	_ =	shalt  }
0x76: {  	_ =	shalt  }
0x77: {  	_ =	shalt  }
0x78: {  	_ =	shalt  }
0x79: {  	_ =	shalt  }
0x7a: {  	_ =	shalt  }
0x7b: {  	_ =	shalt  }
0x7c: {  	_ =	shalt  }
0x7d: {  	_ =	shalt  }
0x7e: {  	_ =	shalt  }
0x7f: {  	_ =	shalt  }
0x80: {  	_ =	shalt  }
0x81: {  	_ =	shalt  }
0x82: {  	_ =	shalt  }
0x83: {  	_ =	shalt  }
0x84: {  	_ =	shalt  }
0x85: {  	_ =	shalt  }
0x86: {  	_ =	shalt  }
0x87: {  	_ =	shalt  }
.Lfunc_end0:
.L_simem_size_0:
called_computation_lowered:
.L_overlay_start_0:
0x88: {  	s2 =	sld [smem:$0x3FD9]  }
0x89: {  	s3 =	sld [smem:$0x3FFE];
	_ =	sdelay $0x1  }
0x8a: {  	s1 =	srdreg.scid  }
0x8b: {  	s0 =	sand.u32 $0x1, s1  }
0x8c: {  	s17 =	sshll.u32 s0, $0xA;
	s2 =	sadd.s32 s3, s2  }
0x8d: {  	s2 =	sadd.s32 s2, s17  }
0x8e: {  	[smem:$0x3FC6] =	sst s2  }
0x8f: {  	_ = 	snop  }
0x90: {  	s2 =	sld [smem:$0x3FD0];
	(tm) =	ssettm $0x1  }
0x91: {  	s18 =	sld [smem:$0x3FFB];
	_ =	sdelay $0x3  }
0x92: {  	_ =	strace s18  }
0x93: {  	s3 =	sld [smem:$0x3FFC];
	_ =	sdelay $0x3  }
0x94: {  	_ =	strace s3  }
0x95: {  	s3 =	sld [smem:$0x3FFD];
	_ =	sdelay $0x3  }
0x96: {  	_ =	strace s3  }
0x97: {  	_ =	strace $0x8FFFFFFF  }
0x98: {  	s19 =	sld [smem:$0x3FDB];
	_ =	sdelay $0x1  }
0x99: {  	s4 =	simm.s32 $_scs_section_size  }
0x9a: {  	s5 =	simm.s32 $_size__tile_overlayer_lowered;
	s6 =	simm.s32 $_tile_overlayer_lowered  }
0x9b: {  	s22 =	simm.s32 $0x1BFF;
	s21 =	sshll.u32 s6, $0x1;
	s3 =	sadd.s32 s4, s19  }
0x9c: {  	s7 =	simm.s32 $0x0;
	s20 =	sshll.u32 s5, $0x1;
	s5 =	sadd.s32 s21, s3  }
0x9d: {  	[timem:s7], [sflag:s22] =	dma.local [hbm:s5], s20  }
0x9e: {  	_ =	swait.ge [sflag:s22], s20  }
0x9f: {  	s4 =	ssub.s32 $0x0, s20;
	[sflag:s22] =	ssyncset.done $0x0  }
0xa0: {  	[sflag:s22] =	ssyncadd.s32 s4;
	_ =	sdelay $0x1  }
0xa1: {  	s23 =	simm.s32 $0x1B8B  }
0xa2: {  	_ =	swait.ge [sflag:s23], $0x1  }
0xa3: {  	[sflag:s23] =	ssyncset.done $0x0  }
0xa4: {  	s25 =	simm.s32 $0x1B8E;
	s24 =	sld [smem:$0x3FFE];
	[sflag:s23] =	ssyncadd.s32 $0xFFFFFFFF  }
0xa5: {  	s26 =	simm.s32 $execute0_lowered;
	[smem:$0x3FD2] =	sst s25  }
0xa6: {  	s5 =	sshll.u32 s26, $0x1;
	_ =	strace $0x80000046;
	[dreg:$0x1] =	wrdreg $0xFFFFFFFF  }
0xa7: {  	s28 =	simm.s32 $_size_execute0_lowered;
	s3 =	sadd.s32 s3, s5;
	[dreg:$0x0] =	wrdreg $0x0  }
0xa8: {  	s5 =	sshll.u32 s28, $0x1;
	[dreg:$0x2] =	wrdreg s3  }
0xa9: {  	[dreg:$0x3] =	wrdreg s5  }
0xaa: {  	[dreg:$0x4] =	wrdreg $0xC0  }
0xab: {  	_ =	task [dreg:s7], $0x5FFFF  }
0xac: {  	[dreg:$0x1] =	wrdreg $0xFFFFFFFF  }
0xad: {  	[dreg:$0x0] =	wrdreg $0x60  }
0xae: {  	[dreg:$0x2] =	wrdreg s24  }
0xaf: {  	[dreg:$0x3] =	wrdreg s2  }
0xb0: {  	[dreg:$0x4] =	wrdreg $0x9  }
0xb1: {  	_ =	task.clear_ibuf [dreg:s7], $0x5FFFF;
	_ =	strace $0x90000046  }
0xb2: {  	s29 =	simm.s32 $0x9;
	_ =	strace $0x80000048  }
0xb3: {  	_ =	swait.ge [sflag:s29], $0x1  }
0xb4: {  	[sflag:s29] =	ssyncadd.s32 $0xFFFFFFFF  }
0xb5: {  	_ =	strace $0x90000048  }
0xb6: {  	_ =	sfence  }
0xb7: {  	s30 =	sld [smem:$0x0];
	_ =	sdelay $0x2  }
0xb8: {  	s31 =	sshll.u32 s1, $0xD;
	s1 =	sshrl.u32 s1, $0x2  }
0xb9: {  	s3 =	sand.u32 $0x4000, s31;
	s1 =	sadd.s32 s1, s30  }
0xba: {  	s0 =	sor.u32 s3, s0;
	s1 =	sshll.u32 s1, $0x11  }
0xbb: {  	s0 =	sor.u32 s1, s0  }
0xbc: {  	s0 =	sadd.s32 $0x8F2B, s0  }
0xbd: {  	[sflag:s0] =	ssyncadd.remote.s32 $0x1  }
0xbe: {  	_ =	sfence.sel $0xFFFF  }
0xbf: {  	[dreg:$0x0] =	wrdreg $0xFFFFFFFF;
	(pc) =	sbr.abs _section_cstart, $3  }
0xc0: {  	[dreg:$0x1] =	wrdreg $0xFFFFFFFF  }
0xc1: {  	_ =	task.clear_ibuf [dreg:s7], $0x2FFFF;
	_ =	strace $0x9FFFFFFF  }
0xc2: {  	(tm) =	ssettm $0x7FFFFFFF  }
0xc3: {  	_ =	shalt  }
tec
execute0_lowered:
.L_overlay_start_1:
0x0: {  	(tag) =	ssettag $0x1  }
0x1: {  	s1 =	srdreg.scid  }
0x2: {  	s23 =	rddreg [dreg:$0x0];
	s0 =	stileid.u32;
	s24 =	sand.u32 $0x1, s1  }
0x3: {  	s3 =	rddreg [dreg:$0x1];
	s4 =	sshll.u32 s0, $0x4;
	s5 =	sshll.u32 s24, $0x3  }
0x4: {  	s2 =	simm.s32 $0x0;
	s1 =	rddreg [dreg:$0x2];
	s25 =	sor.u32 s5, s4  }
0x5: {  	[smem:$0x7FF] =	sst s2;
	s4 =	sshll.u32 s25, $0x4  }
0x6: {  	_ =	strace $0x80000047;
	s4 =	sadd.s32 s3, s4;
	s3 =	simm.s32 $0x2  }
0x7: {  	[tilespmem:s2], [sflag:$0x2] =	stream.linear.gather [hbm4b:s4+s2], $0x400, $0x38;
	[tilespmem:$0x12400] =	vst v63  }
0x8: {  	_ =	swait.ge [sflag:s3], $0x400  }
0x9: {  	s6 =	simm.s32 $0x48;
	[sflag:s3] =	ssyncset.done $0x0  }
0xa: {  	s7 =	simm.s32 $0x400;
	s5 =	sadd.s32 $0x20000, s23;
	[sflag:s3] =	ssyncadd.s32 $0xFFFFFC00  }
0xb: {  	[tilespmem:s7], [sflag:$0x1] =	stream.indirect.gather [hbm4b:s5+s6], $0x80, s2, s6, $0xb8;
	[tilespmem:$0x12400] =	vst v63  }
0xc: {  	s8 =	simm.s32 $0x80;
	s9 =	simm.s32 $0x2800  }
0xd: {  	[tilespmem:s9], [sflag:$0x1] =	stream.indirect.gather [hbm4b:s5+s6], $0x80, s8, s6, $0xb8;
	[tilespmem:$0x12400] =	vst v63  }
0xe: {  	s10 =	simm.s32 $0x100;
	s11 =	simm.s32 $0x4C00  }
0xf: {  	[tilespmem:s11], [sflag:$0x1] =	stream.indirect.gather [hbm4b:s5+s6], $0x80, s10, s6, $0xb8;
	[tilespmem:$0x12400] =	vst v63  }
0x10: {  	s12 =	simm.s32 $0x180;
	s13 =	simm.s32 $0x7000  }
0x11: {  	[tilespmem:s13], [sflag:$0x1] =	stream.indirect.gather [hbm4b:s5+s6], $0x80, s12, s6, $0xb8;
	[tilespmem:$0x12400] =	vst v63  }
0x12: {  	s14 =	simm.s32 $0x200;
	s15 =	simm.s32 $0x9400  }
0x13: {  	[tilespmem:s15], [sflag:$0x1] =	stream.indirect.gather [hbm4b:s5+s6], $0x80, s14, s6, $0xb8;
	[tilespmem:$0x12400] =	vst v63  }
0x14: {  	s16 =	simm.s32 $0x280;
	s17 =	simm.s32 $0xB800  }
0x15: {  	[tilespmem:s17], [sflag:$0x1] =	stream.indirect.gather [hbm4b:s5+s6], $0x80, s16, s6, $0xb8;
	[tilespmem:$0x12400] =	vst v63  }
0x16: {  	s18 =	simm.s32 $0x300;
	s19 =	simm.s32 $0xDC00  }
0x17: {  	[tilespmem:s19], [sflag:$0x1] =	stream.indirect.gather [hbm4b:s5+s6], $0x80, s18, s6, $0xb8;
	[tilespmem:$0x12400] =	vst v63  }
0x18: {  	s20 =	simm.s32 $0x380;
	s21 =	simm.s32 $0x10000;
	s22 =	simm.s32 $0x1  }
0x19: {  	[tilespmem:s21], [sflag:$0x1] =	stream.indirect.gather [hbm4b:s5+s6], $0x80, s20, s6, $0xb8;
	[tilespmem:$0x12400] =	vst v63  }
0x1a: {  	_ =	swait.ge [sflag:s22], $0x2400  }
0x1b: {  	[sflag:s22] =	ssyncset.done $0x0  }
0x1c: {  	[sflag:s22] =	ssyncadd.s32 $0xFFFFDC00  }
0x1d: {  	_ =	swait.ge [sflag:s22], $0x2400  }
0x1e: {  	[sflag:s22] =	ssyncset.done $0x0  }
0x1f: {  	[sflag:s22] =	ssyncadd.s32 $0xFFFFDC00  }
0x20: {  	_ =	swait.ge [sflag:s22], $0x2400  }
0x21: {  	[sflag:s22] =	ssyncset.done $0x0  }
0x22: {  	[sflag:s22] =	ssyncadd.s32 $0xFFFFDC00  }
0x23: {  	_ =	swait.ge [sflag:s22], $0x2400  }
0x24: {  	[sflag:s22] =	ssyncset.done $0x0  }
0x25: {  	[sflag:s22] =	ssyncadd.s32 $0xFFFFDC00  }
0x26: {  	_ =	swait.ge [sflag:s22], $0x2400  }
0x27: {  	[sflag:s22] =	ssyncset.done $0x0  }
0x28: {  	[sflag:s22] =	ssyncadd.s32 $0xFFFFDC00  }
0x29: {  	_ =	swait.ge [sflag:s22], $0x2400  }
0x2a: {  	[sflag:s22] =	ssyncset.done $0x0  }
0x2b: {  	s24 =	ssub.s32 $0x2, s24;
	[sflag:s22] =	ssyncadd.s32 $0xFFFFDC00  }
0x2c: {  	s26 =	sshrl.u32 s24, $0x1;
	_ =	swait.ge [sflag:s22], $0x2400  }
0x2d: {  	s24 =	ssub.s32 s24, s26;
	[sflag:s22] =	ssyncset.done $0x0  }
0x2e: {  	s25 =	smul.u32 $0x480, s25;
	s24 =	smax.u32 s24, $0x1;
	[sflag:s22] =	ssyncadd.s32 $0xFFFFDC00  }
0x2f: {  	p0 =	sne.s32 s24, $0x1;
	_ =	swait.ge [sflag:s22], $0x2400  }
.Ltmp0:
0x30: {  	s23 =	sadd.s32 s25, s23;
	[sflag:s22] =	ssyncset.done $0x0;
	(pc) =	sbr.rel @!p0 .LBB2_2-.Ltmp0, $4  }
0x31: {  	s23 =	sadd.s32 $0x40000, s23;
	[sflag:s22] =	ssyncadd.s32 $0xFFFFDC00  }
0x32: {  	[hbm4b:s23+s2] =	stream.linear.scatter [tilespmem:s7], [sflag:$0x2], $0x12000, $0x38;
	[tilespmem:$0x12400] =	vst v63  }
0x33: {  	_ =	swait.ge [sflag:s3], $0x12000  }
0x34: {  	s24 =	sadd.s32 $0xFFFFFFFF, s24;
	[sflag:s3] =	ssyncset.done $0x0  }
.LBB2_1:
0x35: {  	p0 =	sne.s32 s24, $0x1;
	s24 =	sadd.s32 $0xFFFFFFFF, s24;
	[sflag:s3] =	ssyncadd.s32 $0xFFFEE000  }
0x36: {  	[tilespmem:s2], [sflag:$0x2] =	stream.linear.gather [hbm4b:s4+s2], $0x400, $0x38;
	[tilespmem:$0x12400] =	vst v63  }
0x37: {  	_ =	swait.ge [sflag:s3], $0x400  }
0x38: {  	[sflag:s3] =	ssyncset.done $0x0  }
0x39: {  	[sflag:s3] =	ssyncadd.s32 $0xFFFFFC00  }
0x3a: {  	[tilespmem:s7], [sflag:$0x1] =	stream.indirect.gather [hbm4b:s5+s6], $0x80, s2, s6, $0xb8;
	[tilespmem:$0x12400] =	vst v63  }
0x3b: {  	_ = 	snop  }
0x3c: {  	[tilespmem:s9], [sflag:$0x1] =	stream.indirect.gather [hbm4b:s5+s6], $0x80, s8, s6, $0xb8;
	[tilespmem:$0x12400] =	vst v63  }
0x3d: {  	_ = 	snop  }
0x3e: {  	[tilespmem:s11], [sflag:$0x1] =	stream.indirect.gather [hbm4b:s5+s6], $0x80, s10, s6, $0xb8;
	[tilespmem:$0x12400] =	vst v63  }
0x3f: {  	_ = 	snop  }
0x40: {  	[tilespmem:s13], [sflag:$0x1] =	stream.indirect.gather [hbm4b:s5+s6], $0x80, s12, s6, $0xb8;
	[tilespmem:$0x12400] =	vst v63  }
0x41: {  	_ = 	snop  }
0x42: {  	[tilespmem:s15], [sflag:$0x1] =	stream.indirect.gather [hbm4b:s5+s6], $0x80, s14, s6, $0xb8;
	[tilespmem:$0x12400] =	vst v63  }
0x43: {  	_ = 	snop  }
0x44: {  	[tilespmem:s17], [sflag:$0x1] =	stream.indirect.gather [hbm4b:s5+s6], $0x80, s16, s6, $0xb8;
	[tilespmem:$0x12400] =	vst v63  }
0x45: {  	_ = 	snop  }
0x46: {  	[tilespmem:s19], [sflag:$0x1] =	stream.indirect.gather [hbm4b:s5+s6], $0x80, s18, s6, $0xb8;
	[tilespmem:$0x12400] =	vst v63  }
0x47: {  	_ = 	snop  }
0x48: {  	[tilespmem:s21], [sflag:$0x1] =	stream.indirect.gather [hbm4b:s5+s6], $0x80, s20, s6, $0xb8;
	[tilespmem:$0x12400] =	vst v63  }
0x49: {  	_ =	swait.ge [sflag:s22], $0x2400  }
0x4a: {  	[sflag:s22] =	ssyncset.done $0x0  }
0x4b: {  	[sflag:s22] =	ssyncadd.s32 $0xFFFFDC00  }
0x4c: {  	_ =	swait.ge [sflag:s22], $0x2400  }
0x4d: {  	[sflag:s22] =	ssyncset.done $0x0  }
0x4e: {  	[sflag:s22] =	ssyncadd.s32 $0xFFFFDC00  }
0x4f: {  	_ =	swait.ge [sflag:s22], $0x2400  }
0x50: {  	[sflag:s22] =	ssyncset.done $0x0  }
0x51: {  	[sflag:s22] =	ssyncadd.s32 $0xFFFFDC00  }
0x52: {  	_ =	swait.ge [sflag:s22], $0x2400  }
0x53: {  	[sflag:s22] =	ssyncset.done $0x0  }
0x54: {  	[sflag:s22] =	ssyncadd.s32 $0xFFFFDC00  }
0x55: {  	_ =	swait.ge [sflag:s22], $0x2400  }
0x56: {  	[sflag:s22] =	ssyncset.done $0x0  }
0x57: {  	[sflag:s22] =	ssyncadd.s32 $0xFFFFDC00  }
0x58: {  	_ =	swait.ge [sflag:s22], $0x2400  }
0x59: {  	[sflag:s22] =	ssyncset.done $0x0  }
0x5a: {  	[sflag:s22] =	ssyncadd.s32 $0xFFFFDC00  }
0x5b: {  	_ =	swait.ge [sflag:s22], $0x2400  }
0x5c: {  	[sflag:s22] =	ssyncset.done $0x0  }
0x5d: {  	[sflag:s22] =	ssyncadd.s32 $0xFFFFDC00  }
0x5e: {  	_ =	swait.ge [sflag:s22], $0x2400  }
.Ltmp1:
0x5f: {  	[sflag:s22] =	ssyncset.done $0x0;
	(pc) =	sbr.rel @p0 .LBB2_1-.Ltmp1, $4  }
0x60: {  	[sflag:s22] =	ssyncadd.s32 $0xFFFFDC00  }
0x61: {  	[hbm4b:s23+s2] =	stream.linear.scatter [tilespmem:s7], [sflag:$0x2], $0x12000, $0x38;
	[tilespmem:$0x12400] =	vst v63  }
0x62: {  	_ =	swait.ge [sflag:s3], $0x12000  }
0x63: {  	[sflag:s3] =	ssyncset.done $0x0  }
.LBB2_2:
0x64: {  	[sflag:s3] =	ssyncadd.s32 $0xFFFEE000  }
0x65: {  	_ =	sfence.sel $0x180000  }
0x66: {  	[bflag:$0x0] =	sbarrier.arrive $0xFFFF  }
0x67: {  	p0 =	sne.s32 s0, $0x0;
	_ =	strace $0x90000047  }
0x68: {  	s0 =	sadd.s32 @!p0 $0x100000, s1;
	[bflag:$0x2] =	sbarrier.arrive $0xFFFF  }
0x69: {  	[sflag:s0] =	ssyncadd.tile.s32 @!p0 $0x1;
	_ =	shalt  }
.Lfunc_end2:
_tile_overlayer_lowered:
.L_overlay_start_2:
0x6a: {  	(tag) =	ssettag $0x2  }
0x6b: {  	s0 =	rddreg [dreg:$0x0];
	s2 =	stileid.u32  }
0x6c: {  	s1 =	rddreg [dreg:$0x1];
	p0 =	sne.s32 s2, $0x0  }
0x6d: {  	s3 =	rddreg [dreg:$0x2];
	[bflag:$0x3] =	sbarrier.arrive $0xFFFF;
	s2 =	simm.s32 @!p0 $0x1C02  }
0x6e: {  	[timem:s3], [sflag:s2] =	dma.local @!p0 [hbm:s0], s1  }
0x6f: {  	s0 =	simm.s32 @!p0 $0x2  }
0x70: {  	_ =	swait.ge @!p0 [sflag:s0], s1  }
0x71: {  	s1 =	ssub.s32 @!p0 $0x0, s1;
	[sflag:s0] =	ssyncset.done @!p0 $0x0  }
0x72: {  	[sflag:s0] =	ssyncadd.s32 @!p0 s1  }
0x73: {  	[bflag:$0x3] =	sbarrier.arrive $0xFFFF  }
0x74: {  	_ =	shalt  }

</sc_bundles>
